<compile_context>
chip_gen: v7x
topology: tpu7x:2x2x1
jax: 0.10.2.dev20260603
libtpu: 0.0.44.dev20260713+nightly
codegen_flags: <defaults>
</compile_context>

<pallas_src>
import functools

import jax
import jax.numpy as jnp
from jax import lax
from jax.experimental import pallas as pl
from jax.experimental.pallas import tpu as pltpu
from jax.experimental.pallas import tpu_sc as plsc

NC, NS, L = 2, 16, 16
NW = NC * NS
CW = 128


def _sc_mesh():
    return plsc.VectorSubcoreMesh(
        core_axis_name="c", subcore_axis_name="s", num_cores=NC, num_subcores=NS
    )


@functools.partial(jax.jit, static_argnums=(1, 2))
def _hist_sc(row2d, npad, chunks):
    npt = npad // NS

    def body(row_hbm, out_hbm, idx_v, ones_v, zeros_v, hist_sh):
        c = lax.axis_index("c")
        s = lax.axis_index("s")
        wid = s * NC + c
        pltpu.sync_copy(row_hbm.at[pl.ds(wid * chunks, chunks)], idx_v)
        z16 = jnp.zeros((L,), jnp.float32)
        o16 = jnp.ones((L,), jnp.float32)
        for k in range(CW // L):
            ones_v[pl.ds(k * L, L)] = o16

        def zloop(i, carry):
            zeros_v[pl.ds(i * L, L)] = z16
            return carry

        lax.fori_loop(0, npt // L, zloop, 0)
        pltpu.sync_copy(zeros_v, hist_sh.at[pl.ds(s * npt, npt)])
        plsc.subcore_barrier()

        def chunk(j, carry):
            pltpu.sync_copy(ones_v, hist_sh.at[idx_v.at[j]], add=True)
            return carry

        lax.fori_loop(0, chunks, chunk, 0)
        plsc.subcore_barrier()
        pltpu.sync_copy(hist_sh.at[pl.ds(s * npt, npt)],
                        out_hbm.at[c, pl.ds(s * npt, npt)])

    return pl.kernel(
        body,
        out_type=jax.ShapeDtypeStruct((NC, npad), jnp.float32),
        mesh=_sc_mesh(),
        scratch_types=[
            pltpu.VMEM((chunks, CW), jnp.int32),
            pltpu.VMEM((CW,), jnp.float32),
            pltpu.VMEM((npt,), jnp.float32),
            pltpu.VMEM_SHARED((npad,), jnp.float32),
        ],
    )(row2d)


@functools.partial(jax.jit, static_argnums=(3, 4))
def _aggregate_sc(xs, row2d, col2d, npad, chunks):
    npt = npad // NS
    ZR = 64

    def body(xs_hbm, row_hbm, col_hbm, out_hbm, rowi_v, coli_v, rows_v,
             zero_v, acc_sh):
        c = lax.axis_index("c")
        s = lax.axis_index("s")
        wid = s * NC + c
        pltpu.sync_copy(row_hbm.at[pl.ds(wid * chunks, chunks)], rowi_v)
        pltpu.sync_copy(col_hbm.at[pl.ds(wid * chunks, chunks)], coli_v)
        z16 = jnp.zeros((L,), jnp.float32)

        def zloop(i, carry):
            for k in range(128 // L):
                zero_v[i, pl.ds(k * L, L)] = z16
            return carry

        lax.fori_loop(0, ZR, zloop, 0)
        for t in range(npt // ZR):
            pltpu.sync_copy(zero_v, acc_sh.at[pl.ds(s * npt + t * ZR, ZR)])
        plsc.subcore_barrier()

        def chunk(j, carry):
            pltpu.sync_copy(xs_hbm.at[rowi_v.at[j]], rows_v)
            pltpu.sync_copy(rows_v, acc_sh.at[coli_v.at[j]], add=True)
            return carry

        lax.fori_loop(0, chunks, chunk, 0)
        plsc.subcore_barrier()
        pltpu.sync_copy(acc_sh.at[pl.ds(s * npt, npt)],
                        out_hbm.at[c, pl.ds(s * npt, npt)])

    return pl.kernel(
        body,
        out_type=jax.ShapeDtypeStruct((NC, npad, 128), jnp.float32),
        mesh=_sc_mesh(),
        scratch_types=[
            pltpu.VMEM((chunks, CW), jnp.int32),
            pltpu.VMEM((chunks, CW), jnp.int32),
            pltpu.VMEM((CW, 128), jnp.float32),
            pltpu.VMEM((ZR, 128), jnp.float32),
            pltpu.VMEM_SHARED((npad, 128), jnp.float32),
        ],
    )(xs, row2d, col2d)


def _dinv_tc(hists):

    def body(h_ref, o_ref):
        deg = jnp.sum(h_ref[...], axis=0, keepdims=True) + 1.0
        o_ref[...] = lax.rsqrt(deg)

    return pl.pallas_call(
        body,
        out_shape=jax.ShapeDtypeStruct((1, hists.shape[1]), jnp.float32),
    )(hists)


def _scale_rows_tc(dinv_col, xpad):
    npad = xpad.shape[0]
    BR = 256

    def body(d_ref, x_ref, o_ref):
        o_ref[...] = d_ref[...] * x_ref[...]

    return pl.pallas_call(
        body,
        grid=(npad // BR,),
        in_specs=[
            pl.BlockSpec((BR, 1), lambda i: (i, 0)),
            pl.BlockSpec((BR, 128), lambda i: (i, 0)),
        ],
        out_specs=pl.BlockSpec((BR, 128), lambda i: (i, 0)),
        out_shape=jax.ShapeDtypeStruct((npad, 128), jnp.float32),
    )(dinv_col, xpad)


def _combine_tc(aparts, xs, dinv_col, w2d, b2d):
    npad = xs.shape[0]
    BR = 256

    def body(a_ref, xs_ref, d_ref, w_ref, b_ref, o_ref):
        acc = a_ref[0] + a_ref[1] + xs_ref[...]
        o_ref[...] = w_ref[...] * (d_ref[...] * acc) + b_ref[...]

    return pl.pallas_call(
        body,
        grid=(npad // BR,),
        in_specs=[
            pl.BlockSpec((NC, BR, 128), lambda i: (0, i, 0)),
            pl.BlockSpec((BR, 128), lambda i: (i, 0)),
            pl.BlockSpec((BR, 1), lambda i: (i, 0)),
            pl.BlockSpec((1, 128), lambda i: (0, 0)),
            pl.BlockSpec((1, 128), lambda i: (0, 0)),
        ],
        out_specs=pl.BlockSpec((BR, 128), lambda i: (i, 0)),
        out_shape=jax.ShapeDtypeStruct((npad, 128), jnp.float32),
    )(aparts, xs, dinv_col, w2d, b2d)


def kernel(x, edge_index, weight, bias):
    n, d = x.shape
    e = edge_index.shape[1]
    assert d == 128
    npad = ((n + 1 + 1023) // 1024) * 1024
    chunks = ((-(-e // (NW * CW)) + 7) // 8) * 8
    epad = NW * chunks * CW

    row = edge_index[0]
    col = edge_index[1]
    padv = jnp.full((epad - e,), n, dtype=jnp.int32)
    row2d = jnp.concatenate([row, padv]).reshape(NW * chunks, CW)
    col2d = jnp.concatenate([col, padv]).reshape(NW * chunks, CW)
    xpad = jnp.pad(x, ((0, npad - n), (0, 0)))

    hists = _hist_sc(row2d, npad, chunks)
    dinv_row = _dinv_tc(hists)
    dinv_col = dinv_row.reshape(npad, 1)
    xs = _scale_rows_tc(dinv_col, xpad)
    aparts = _aggregate_sc(xs, row2d, col2d, npad, chunks)
    w2d = weight.reshape(1, 128).astype(jnp.float32)
    b2d = bias.reshape(1, 128).astype(jnp.float32)
    out_full = _combine_tc(aparts, xs, dinv_col, w2d, b2d)
    return out_full[:n]

# --- scband reference (transcript-rebuilt; emitter-appended) ---
"""Pipeline reference for scband-multiple-encoder-29205777612852 (READ-ONLY COPY).

The authoritative reference and input builder live on the scoring server;
editing this copy changes nothing except your own understanding.
"""

import jax, jax.numpy as jnp
import numpy as np

N_NODES = 10000
N_EDGES = 320000
D_FEAT = 128


def setup_inputs(seed: int = 0) -> dict:
    key = jax.random.key(seed)
    k1, k2 = jax.random.split(key)
    x = jax.random.normal(k1, (N_NODES, D_FEAT), dtype=jnp.float32)
    edge_index = jax.random.randint(k2, (2, N_EDGES), 0, N_NODES, dtype=jnp.int32)
    # learned parameters per GCNAlign_GCNConv.reset_parameters: weight=ones, bias=zeros
    weight = jnp.ones((1, D_FEAT), dtype=jnp.float32)
    bias = jnp.zeros((D_FEAT,), dtype=jnp.float32)
    return {"x": x, "edge_index": edge_index, "weight": weight, "bias": bias}


def reference(x, edge_index, weight, bias):
    # GCNAlign_GCNConv.forward (improved=False, pow=-0.5, cached=False, edge_weight=None)
    num_nodes = x.shape[0]
    x = x * weight  # torch.mul(x, self.weight), weight shape [1, out_channels]

    # norm(): edge_weight defaults to ones; add_remaining_self_loops with fill_value=1.0
    E = edge_index.shape[1]
    edge_weight = jnp.ones((E,), dtype=x.dtype)
    loop_idx = jnp.arange(num_nodes, dtype=edge_index.dtype)
    ei = jnp.concatenate([edge_index, jnp.stack([loop_idx, loop_idx], axis=0)], axis=1)
    ew = jnp.concatenate([edge_weight, jnp.ones((num_nodes,), dtype=x.dtype)], axis=0)

    row = ei[0]
    col = ei[1]
    deg = jax.ops.segment_sum(ew, row, num_segments=num_nodes)
    deg_inv_sqrt = jnp.power(deg, -0.5)
    deg_inv_sqrt = jnp.where(jnp.isinf(deg_inv_sqrt), 0.0, deg_inv_sqrt)
    norm = deg_inv_sqrt[row] * ew * deg_inv_sqrt[col]

    # propagate(aggr='add', flow=source_to_target): x_j = x[row], aggregated at col
    msgs = norm[:, None] * jnp.take(x, row, axis=0)
    aggr_out = jax.ops.segment_sum(msgs, col, num_segments=num_nodes)

    # update(): add bias
    out = aggr_out + bias
    return out

if __name__ == "__main__":
    import jax
    _d = setup_inputs()
    print(jax.jit(kernel)(*tuple(_d.values())))

</pallas_src>

<mosaic_0001>
#map = affine_map<(d0, d1) -> (0, 0)>
module attributes {stable_mosaic.version = 14 : i64} {
  func.func @body(%arg0: i32, %arg1: i32, %arg2: memref<2560x128xi32, #tpu.memory_space<hbm>>, %arg3: memref<2x10240xf32, #tpu.memory_space<hbm>>, %arg4: memref<80x128xi32, #tpu.memory_space<vmem>>, %arg5: memref<128xf32, #tpu.memory_space<vmem>>, %arg6: memref<640xf32, #tpu.memory_space<vmem>>, %arg7: memref<10240xf32, #tpu.memory_space<vmem_shared>>) attributes {dimension_semantics = [#tpu.dimension_semantics<core_parallel>, #tpu.dimension_semantics<subcore_parallel>], iteration_bounds = array<i64: 2, 16>, scalar_prefetch = 0 : i64, scratch_operands = 4 : i64, tpu.core_type = #tpu.core_type<sc_vector_subcore>, window_params = [{transform_indices = #map}, {transform_indices = #map}]} {
    %mul3A = arith.constant 2 : i32
    %mul3A_0 = arith.muli %arg1, %mul3A : i32
    %add3A = arith.addi %mul3A_0, %arg0 : i32
    %mul3A_1 = arith.constant 80 : i32
    %mul3A_2 = arith.muli %add3A, %mul3A_1 : i32
    "tpu.region"() ({
      %run_scoped3A = tpu.sem_alloc : memref<!tpu.dma_semaphore, #tpu.memory_space<semaphore_mem>>
      %dma_start3A = arith.constant 0 : i32
      %dma_start3A_55 = tpu.memref_slice %arg2[%mul3A_2, %dma_start3A] : memref<2560x128xi32, #tpu.memory_space<hbm>> -> memref<80x128xi32, #tpu.memory_space<hbm>>
      %dma_start3A_56 = arith.constant 0 : i32
      %dma_start3A_57 = tpu.memref_slice %arg2[%mul3A_2, %dma_start3A_56] : memref<2560x128xi32, #tpu.memory_space<hbm>> -> memref<80x128xi32, #tpu.memory_space<hbm>>
      tpu.enqueue_dma source(%dma_start3A_57 : memref<80x128xi32, #tpu.memory_space<hbm>>) target(%arg4 : memref<80x128xi32, #tpu.memory_space<vmem>>) target_semaphore(%run_scoped3A : memref<!tpu.dma_semaphore, #tpu.memory_space<semaphore_mem>>)
      %dma_wait3A = arith.constant 0 : i32
      %dma_wait3A_58 = tpu.memref_slice %arg2[%mul3A_2, %dma_wait3A] : memref<2560x128xi32, #tpu.memory_space<hbm>> -> memref<80x128xi32, #tpu.memory_space<hbm>>
      %dma_wait3A_59 = arith.constant 0 : i32
      %dma_wait3A_60 = tpu.memref_slice %arg2[%mul3A_2, %dma_wait3A_59] : memref<2560x128xi32, #tpu.memory_space<hbm>> -> memref<80x128xi32, #tpu.memory_space<hbm>>
      tpu.wait_dma2 semaphore(%run_scoped3A : memref<!tpu.dma_semaphore, #tpu.memory_space<semaphore_mem>>) src(%dma_wait3A_60 : memref<80x128xi32, #tpu.memory_space<hbm>>) dst(%arg4 : memref<80x128xi32, #tpu.memory_space<vmem>>)
      tpu.yield
    }) : () -> ()
    %broadcast_in_dim3A = arith.constant 0.000000e+00 : f32
    %broadcast_in_dim3A_3 = vector.broadcast %broadcast_in_dim3A : f32 to vector<16xf32>
    %broadcast_in_dim3A_4 = arith.constant 1.000000e+00 : f32
    %broadcast_in_dim3A_5 = vector.broadcast %broadcast_in_dim3A_4 : f32 to vector<16xf32>
    %swap3A = arith.constant 0 : index
    %swap3A_6 = tpu.vector_load %arg5[%swap3A] {strides = array<i32>} : memref<128xf32, #tpu.memory_space<vmem>>, vector<16xf32>,
    %swap3A_7 = vector.shape_cast %swap3A_6 : vector<16xf32> to vector<16xf32>
    %swap3A_8 = vector.shape_cast %broadcast_in_dim3A_5 : vector<16xf32> to vector<16xf32>
    tpu.vector_store %arg5[%swap3A], %swap3A_8 {strides = array<i32>} : memref<128xf32, #tpu.memory_space<vmem>>, vector<16xf32>,
    %swap3A_9 = arith.constant 16 : index
    %swap3A_10 = tpu.vector_load %arg5[%swap3A_9] {strides = array<i32>} : memref<128xf32, #tpu.memory_space<vmem>>, vector<16xf32>,
    %swap3A_11 = vector.shape_cast %swap3A_10 : vector<16xf32> to vector<16xf32>
    %swap3A_12 = vector.shape_cast %broadcast_in_dim3A_5 : vector<16xf32> to vector<16xf32>
    tpu.vector_store %arg5[%swap3A_9], %swap3A_12 {strides = array<i32>} : memref<128xf32, #tpu.memory_space<vmem>>, vector<16xf32>,
    %swap3A_13 = arith.constant 32 : index
    %swap3A_14 = tpu.vector_load %arg5[%swap3A_13] {strides = array<i32>} : memref<128xf32, #tpu.memory_space<vmem>>, vector<16xf32>,
    %swap3A_15 = vector.shape_cast %swap3A_14 : vector<16xf32> to vector<16xf32>
    %swap3A_16 = vector.shape_cast %broadcast_in_dim3A_5 : vector<16xf32> to vector<16xf32>
    tpu.vector_store %arg5[%swap3A_13], %swap3A_16 {strides = array<i32>} : memref<128xf32, #tpu.memory_space<vmem>>, vector<16xf32>,
    %swap3A_17 = arith.constant 48 : index
    %swap3A_18 = tpu.vector_load %arg5[%swap3A_17] {strides = array<i32>} : memref<128xf32, #tpu.memory_space<vmem>>, vector<16xf32>,
    %swap3A_19 = vector.shape_cast %swap3A_18 : vector<16xf32> to vector<16xf32>
    %swap3A_20 = vector.shape_cast %broadcast_in_dim3A_5 : vector<16xf32> to vector<16xf32>
    tpu.vector_store %arg5[%swap3A_17], %swap3A_20 {strides = array<i32>} : memref<128xf32, #tpu.memory_space<vmem>>, vector<16xf32>,
    %swap3A_21 = arith.constant 64 : index
    %swap3A_22 = tpu.vector_load %arg5[%swap3A_21] {strides = array<i32>} : memref<128xf32, #tpu.memory_space<vmem>>, vector<16xf32>,
    %swap3A_23 = vector.shape_cast %swap3A_22 : vector<16xf32> to vector<16xf32>
    %swap3A_24 = vector.shape_cast %broadcast_in_dim3A_5 : vector<16xf32> to vector<16xf32>
    tpu.vector_store %arg5[%swap3A_21], %swap3A_24 {strides = array<i32>} : memref<128xf32, #tpu.memory_space<vmem>>, vector<16xf32>,
    %swap3A_25 = arith.constant 80 : index
    %swap3A_26 = tpu.vector_load %arg5[%swap3A_25] {strides = array<i32>} : memref<128xf32, #tpu.memory_space<vmem>>, vector<16xf32>,
    %swap3A_27 = vector.shape_cast %swap3A_26 : vector<16xf32> to vector<16xf32>
    %swap3A_28 = vector.shape_cast %broadcast_in_dim3A_5 : vector<16xf32> to vector<16xf32>
    tpu.vector_store %arg5[%swap3A_25], %swap3A_28 {strides = array<i32>} : memref<128xf32, #tpu.memory_space<vmem>>, vector<16xf32>,
    %swap3A_29 = arith.constant 96 : index
    %swap3A_30 = tpu.vector_load %arg5[%swap3A_29] {strides = array<i32>} : memref<128xf32, #tpu.memory_space<vmem>>, vector<16xf32>,
    %swap3A_31 = vector.shape_cast %swap3A_30 : vector<16xf32> to vector<16xf32>
    %swap3A_32 = vector.shape_cast %broadcast_in_dim3A_5 : vector<16xf32> to vector<16xf32>
    tpu.vector_store %arg5[%swap3A_29], %swap3A_32 {strides = array<i32>} : memref<128xf32, #tpu.memory_space<vmem>>, vector<16xf32>,
    %swap3A_33 = arith.constant 112 : index
    %swap3A_34 = tpu.vector_load %arg5[%swap3A_33] {strides = array<i32>} : memref<128xf32, #tpu.memory_space<vmem>>, vector<16xf32>,
    %swap3A_35 = vector.shape_cast %swap3A_34 : vector<16xf32> to vector<16xf32>
    %swap3A_36 = vector.shape_cast %broadcast_in_dim3A_5 : vector<16xf32> to vector<16xf32>
    tpu.vector_store %arg5[%swap3A_33], %swap3A_36 {strides = array<i32>} : memref<128xf32, #tpu.memory_space<vmem>>, vector<16xf32>,
    %scan3A = arith.constant 0 : i32
    %scan3A_37 = arith.constant 0 : i32
    %scan3A_38 = arith.constant 40 : i32
    %scan3A_39 = arith.addi %scan3A_37, %scan3A_38 : i32
    %scan3A_40 = arith.constant 1 : i32
    scf.for %scan3A_55 = %scan3A_37 to %scan3A_39 step %scan3A_40  : i32 {
      %mul3A_56 = arith.constant 16 : i32
      %mul3A_57 = arith.muli %scan3A_55, %mul3A_56 : i32
      %swap3A_58 = arith.index_cast %mul3A_57 : i32 to index
      %swap3A_59 = tpu.vector_load %arg6[%swap3A_58] {strides = array<i32>} : memref<640xf32, #tpu.memory_space<vmem>>, vector<16xf32>,
      %swap3A_60 = vector.shape_cast %swap3A_59 : vector<16xf32> to vector<16xf32>
      %swap3A_61 = vector.shape_cast %broadcast_in_dim3A_3 : vector<16xf32> to vector<16xf32>
      tpu.vector_store %arg6[%swap3A_58], %swap3A_61 {strides = array<i32>} : memref<640xf32, #tpu.memory_space<vmem>>, vector<16xf32>,
    }
    %scan3A_41 = arith.constant 40 : i32
    %mul3A_42 = arith.constant 640 : i32
    %mul3A_43 = arith.muli %arg1, %mul3A_42 : i32
    "tpu.region"() ({
      %run_scoped3A = tpu.sem_alloc : memref<!tpu.dma_semaphore, #tpu.memory_space<semaphore_mem>>
      %dma_start3A = tpu.memref_slice %arg7[%mul3A_43] : memref<10240xf32, #tpu.memory_space<vmem_shared>> -> memref<640xf32, #tpu.memory_space<vmem_shared>>
      %dma_start3A_55 = tpu.memref_slice %arg7[%mul3A_43] : memref<10240xf32, #tpu.memory_space<vmem_shared>> -> memref<640xf32, #tpu.memory_space<vmem_shared>>
      tpu.enqueue_dma source(%arg6 : memref<640xf32, #tpu.memory_space<vmem>>) target(%dma_start3A_55 : memref<640xf32, #tpu.memory_space<vmem_shared>>) target_semaphore(%run_scoped3A : memref<!tpu.dma_semaphore, #tpu.memory_space<semaphore_mem>>)
      %dma_wait3A = tpu.memref_slice %arg7[%mul3A_43] : memref<10240xf32, #tpu.memory_space<vmem_shared>> -> memref<640xf32, #tpu.memory_space<vmem_shared>>
      %dma_wait3A_56 = tpu.memref_slice %arg7[%mul3A_43] : memref<10240xf32, #tpu.memory_space<vmem_shared>> -> memref<640xf32, #tpu.memory_space<vmem_shared>>
      tpu.wait_dma2 semaphore(%run_scoped3A : memref<!tpu.dma_semaphore, #tpu.memory_space<semaphore_mem>>) src(%arg6 : memref<640xf32, #tpu.memory_space<vmem>>) dst(%dma_wait3A_56 : memref<640xf32, #tpu.memory_space<vmem_shared>>)
      tpu.yield
    }) : () -> ()
    %barrier3A = arith.constant 0 : index
    tpu.barrier barrier_id(%barrier3A)
    %scan3A_44 = arith.constant 0 : i32
    %scan3A_45 = arith.constant 0 : i32
    %scan3A_46 = arith.constant 80 : i32
    %scan3A_47 = arith.addi %scan3A_45, %scan3A_46 : i32
    %scan3A_48 = arith.constant 1 : i32
    scf.for %scan3A_55 = %scan3A_45 to %scan3A_47 step %scan3A_48  : i32 {
      "tpu.region"() ({
        %run_scoped3A = tpu.sem_alloc : memref<!tpu.dma_semaphore, #tpu.memory_space<semaphore_mem>>
        %dma_start3A = arith.constant 0 : i32
        %dma_start3A_56 = tpu.memref_slice %arg4[%scan3A_55, %dma_start3A] : memref<80x128xi32, #tpu.memory_space<vmem>> -> memref<1x128xi32, #tpu.memory_space<vmem>>
        %dma_start3A_57 = tpu.memref_squeeze %dma_start3A_56 : memref<1x128xi32, #tpu.memory_space<vmem>> -> memref<128xi32, #tpu.memory_space<vmem>>
        %dma_start3A_58 = arith.constant 0 : i32
        %dma_start3A_59 = tpu.memref_slice %arg7[%dma_start3A_58] : memref<10240xf32, #tpu.memory_space<vmem_shared>> -> memref<10240xf32, #tpu.memory_space<vmem_shared>>
        tpu.enqueue_indirect_dma source(%arg5 : memref<128xf32, #tpu.memory_space<vmem>>) target(%dma_start3A_59 : memref<10240xf32, #tpu.memory_space<vmem_shared>>) offsets(%dma_start3A_57 : memref<128xi32, #tpu.memory_space<vmem>>) semaphore(%run_scoped3A : memref<!tpu.dma_semaphore, #tpu.memory_space<semaphore_mem>>) {add = true}
        %dma_wait3A = arith.constant 0 : i32
        %dma_wait3A_60 = tpu.memref_slice %arg4[%scan3A_55, %dma_wait3A] : memref<80x128xi32, #tpu.memory_space<vmem>> -> memref<1x128xi32, #tpu.memory_space<vmem>>
        %dma_wait3A_61 = tpu.memref_squeeze %dma_wait3A_60 : memref<1x128xi32, #tpu.memory_space<vmem>> -> memref<128xi32, #tpu.memory_space<vmem>>
        %dma_wait3A_62 = arith.constant 0 : i32
        %dma_wait3A_63 = tpu.memref_slice %arg7[%dma_wait3A_62] : memref<10240xf32, #tpu.memory_space<vmem_shared>> -> memref<10240xf32, #tpu.memory_space<vmem_shared>>
        tpu.wait_indirect_dma semaphore(%run_scoped3A : memref<!tpu.dma_semaphore, #tpu.memory_space<semaphore_mem>>) src(%arg5 : memref<128xf32, #tpu.memory_space<vmem>>) dst(%dma_wait3A_63 : memref<10240xf32, #tpu.memory_space<vmem_shared>>)
        tpu.yield
      }) : () -> ()
    }
    %scan3A_49 = arith.constant 80 : i32
    %barrier3A_50 = arith.constant 0 : index
    tpu.barrier barrier_id(%barrier3A_50)
    %mul3A_51 = arith.constant 640 : i32
    %mul3A_52 = arith.muli %arg1, %mul3A_51 : i32
    %mul3A_53 = arith.constant 640 : i32
    %mul3A_54 = arith.muli %arg1, %mul3A_53 : i32
    "tpu.region"() ({
      %run_scoped3A = tpu.sem_alloc : memref<!tpu.dma_semaphore, #tpu.memory_space<semaphore_mem>>
      %dma_start3A = tpu.memref_slice %arg3[%arg0, %mul3A_54] : memref<2x10240xf32, #tpu.memory_space<hbm>> -> memref<1x640xf32, #tpu.memory_space<hbm>>
      %dma_start3A_55 = tpu.memref_squeeze %dma_start3A : memref<1x640xf32, #tpu.memory_space<hbm>> -> memref<640xf32, #tpu.memory_space<hbm>>
      %dma_start3A_56 = tpu.memref_slice %arg7[%mul3A_52] : memref<10240xf32, #tpu.memory_space<vmem_shared>> -> memref<640xf32, #tpu.memory_space<vmem_shared>>
      tpu.enqueue_dma source(%dma_start3A_56 : memref<640xf32, #tpu.memory_space<vmem_shared>>) target(%dma_start3A_55 : memref<640xf32, #tpu.memory_space<hbm>>) target_semaphore(%run_scoped3A : memref<!tpu.dma_semaphore, #tpu.memory_space<semaphore_mem>>)
      %dma_wait3A = tpu.memref_slice %arg3[%arg0, %mul3A_54] : memref<2x10240xf32, #tpu.memory_space<hbm>> -> memref<1x640xf32, #tpu.memory_space<hbm>>
      %dma_wait3A_57 = tpu.memref_squeeze %dma_wait3A : memref<1x640xf32, #tpu.memory_space<hbm>> -> memref<640xf32, #tpu.memory_space<hbm>>
      %dma_wait3A_58 = tpu.memref_slice %arg7[%mul3A_52] : memref<10240xf32, #tpu.memory_space<vmem_shared>> -> memref<640xf32, #tpu.memory_space<vmem_shared>>
      tpu.wait_dma2 semaphore(%run_scoped3A : memref<!tpu.dma_semaphore, #tpu.memory_space<semaphore_mem>>) src(%dma_wait3A_58 : memref<640xf32, #tpu.memory_space<vmem_shared>>) dst(%dma_wait3A_57 : memref<640xf32, #tpu.memory_space<hbm>>)
      tpu.yield
    }) : () -> ()
    return
  }
}

</mosaic_0001>

<sc_bundles>
// kernel: _hist_sc.3.cloned.1.call-start
scs
__scs_entry_jumppad:
0x0: {  	(pc) =	sbr.rel $0x88, $3  }
0x1: {  	(tag) =	ssettag $0x0;
	lr =	simm.s32 $0x1  }
0x2: {  	[smem:$0x3FA0] =	sst lr;
	_ =	strace $0xD0000000  }
0x3: {  	_ = 	snop  }
0x4: {  	_ = 	snop  }
0x5: {  	_ = 	snop  }
0x6: {  	_ = 	snop  }
0x7: {  	_ = 	snop  }
__scs_overlays_trampoline_lowered:
0x8: {  	[smem:$0x3FAF] =	sst s0  }
0x9: {  	[smem:$0x3FB0] =	sst s1  }
0xa: {  	[smem:$0x3FB1] =	sst s2  }
0xb: {  	[smem:$0x3FB2] =	sst s3  }
0xc: {  	[smem:$0x3FB3] =	sst s4  }
0xd: {  	[smem:$0x3FB4] =	sst s5  }
0xe: {  	[smem:$0x3FB5] =	sst s6  }
0xf: {  	[smem:$0x3FB6] =	sst s7  }
0x10: {  	[smem:$0x3FB7] =	sst s8  }
0x11: {  	[smem:$0x3FB8] =	sst s9;
	s0 =	simm.s32 @!p0 $0x0  }
0x12: {  	s1 =	sld [smem:$0x3F9E];
	s0 =	simm.s32 @p0 $0x1  }
0x13: {  	[smem:$0x3FB9] =	sst s0;
	s0 =	simm.s32 @!p1 $0x0  }
0x14: {  	s2 =	sld [smem:$0x3F9D];
	s0 =	simm.s32 @p1 $0x1  }
0x15: {  	[smem:$0x3FBA] =	sst s0;
	s0 =	simm.s32 @!p2 $0x0  }
0x16: {  	s3 =	sld [smem:$0x3FDB];
	s0 =	simm.s32 @p2 $0x1  }
0x17: {  	s4 =	simm.s32 $0x1BF5;
	[smem:$0x3FBC] =	sst s0  }
0x18: {  	s0 =	sld [smem:$0x3F9F];
	_ =	swait.ge [sflag:s4], $0x0  }
0x19: {  	s7 =	sld [smem:$0x3FA0]  }
0x1a: {  	s8 =	sadd.s32 $0xFFFFE003, lr  }
0x1b: {  	s9 =	sadd.s32 $0xFFFFFEF7, lr;
	s5 =	simm.s32 $0xFFFFFFFF;
	p2 =	slt.u32 s8, $0xFFFFF086  }
0x1c: {  	p1 =	slt.u32 s9, $0xF7A;
	s5 =	simm.s32 @!p2 $0x0  }
0x1d: {  	s5 =	simm.s32 @p1 $0x1;
	p0 =	seq.s32 s7, s2  }
0x1e: {  	s7 =	smul.u32 @!p0 $0xF7A, s2;
	p2 =	seq.s32 @!p0 s5, $0x0  }
0x1f: {  	s9 =	smul.u32 $0xF7A, s1;
	s8 =	simm.s32 @!p0 $0x1BF5;
	p2 =	por !p2, p0  }
0x20: {  	[sflag:s8] =	ssyncset.s32 @!p0 $0xFFFFF086;
	s6 =	sadd.s32 @!p0 s3, s7;
	s7 =	simm.s32 @!p0 $0x108  }
0x21: {  	s3 =	sadd.s32 s3, s9;
	s6 =	sadd.s32 @!p0 $0x88, s6;
	s7 =	simm.s32 @p2 $0x1082  }
0x22: {  	[simem:s7], [sflag:s8] =	dma.local @!p0 [hbm:s6], $0xF7A  }
0x23: {  	s9 =	sor.u32 $0xD0000000, s2;
	s6 =	simm.s32 $0x108;
	_ =	swait.ge @!p0 [sflag:s8], $0x0  }
0x24: {  	s3 =	sadd.s32 $0x88, s3;
	s6 =	simm.s32 @!p1 $0x1082;
	[sflag:s4] =	ssyncset.s32 $0xFFFFF086  }
0x25: {  	[simem:s6], [sflag:s4] =	dma.local [hbm:s3], $0xF7A  }
0x26: {  	[smem:$0x3FA0] =	sst s1;
	(tag) =	ssettag s2;
	_ =	strace s9  }
0x27: {  	s1 =	sld [smem:$0x3FB0]  }
0x28: {  	s2 =	sld [smem:$0x3FB1]  }
0x29: {  	s4 =	sld [smem:$0x3FB3]  }
0x2a: {  	p0 =	seq.s32 s5, $0x0;
	s5 =	sld [smem:$0x3FB4]  }
0x2b: {  	s6 =	sld [smem:$0x3FB5]  }
0x2c: {  	s7 =	sld [smem:$0x3FB6]  }
0x2d: {  	s3 =	simm.s32 $0x108;
	s8 =	sld [smem:$0x3FB7]  }
0x2e: {  	s3 =	simm.s32 @!p0 $0x1082;
	s9 =	sld [smem:$0x3FB8]  }
0x2f: {  	lr =	sadd.s32 s0, s3;
	s0 =	sld [smem:$0x3FAF]  }
0x30: {  	s3 =	sld [smem:$0x3FB2]  }
0x31: {  	[smem:$0x3FBB] =	sst s10  }
0x32: {  	s10 =	sld [smem:$0x3FB9];
	_ =	sdelay $0x3  }
0x33: {  	p0 =	seq.s32 s10, $0x1;
	s10 =	sld [smem:$0x3FBB];
	_ =	sdelay $0x3  }
0x34: {  	[smem:$0x3FBB] =	sst s10  }
0x35: {  	s10 =	sld [smem:$0x3FBA];
	_ =	sdelay $0x3  }
0x36: {  	p1 =	seq.s32 s10, $0x1;
	s10 =	sld [smem:$0x3FBB];
	_ =	sdelay $0x3  }
0x37: {  	[smem:$0x3FBB] =	sst s10  }
0x38: {  	s10 =	sld [smem:$0x3FBC]  }
0x39: {  	_ = 	snop;
	(pc) =	sbr.ind lr, $3  }
0x3a: {  	_ = 	snop  }
0x3b: {  	_ = 	snop  }
0x3c: {  	p2 =	seq.s32 s10, $0x1;
	s10 =	sld [smem:$0x3FBB]  }
0x3d: {  	_ =	shalt  }
0x3e: {  	_ =	shalt  }
0x3f: {  	_ =	shalt  }
0x40: {  	_ =	shalt  }
0x41: {  	_ =	shalt  }
0x42: {  	_ =	shalt  }
0x43: {  	_ =	shalt  }
0x44: {  	_ =	shalt  }
0x45: {  	_ =	shalt  }
0x46: {  	_ =	shalt  }
0x47: {  	_ =	shalt  }
0x48: {  	_ =	shalt  }
0x49: {  	_ =	shalt  }
0x4a: {  	_ =	shalt  }
0x4b: {  	_ =	shalt  }
0x4c: {  	_ =	shalt  }
0x4d: {  	_ =	shalt  }
0x4e: {  	_ =	shalt  }
0x4f: {  	_ =	shalt  }
0x50: {  	_ =	shalt  }
0x51: {  	_ =	shalt  }
0x52: {  	_ =	shalt  }
0x53: {  	_ =	shalt  }
0x54: {  	_ =	shalt  }
0x55: {  	_ =	shalt  }
0x56: {  	_ =	shalt  }
0x57: {  	_ =	shalt  }
0x58: {  	_ =	shalt  }
0x59: {  	_ =	shalt  }
0x5a: {  	_ =	shalt  }
0x5b: {  	_ =	shalt  }
0x5c: {  	_ =	shalt  }
0x5d: {  	_ =	shalt  }
0x5e: {  	_ =	shalt  }
0x5f: {  	_ =	shalt  }
0x60: {  	_ =	shalt  }
0x61: {  	_ =	shalt  }
0x62: {  	_ =	shalt  }
0x63: {  	_ =	shalt  }
0x64: {  	_ =	shalt  }
0x65: {  	_ =	shalt  }
0x66: {  	_ =	shalt  }
0x67: {  	_ =	shalt  }
0x68: {  	_ =	shalt  }
0x69: {  	_ =	shalt  }
0x6a: {  	_ =	shalt  }
0x6b: {  	_ =	shalt  }
0x6c: {  	_ =	shalt  }
0x6d: {  	_ =	shalt  }
0x6e: {  	_ =	shalt  }
0x6f: {  	_ =	shalt  }
0x70: {  	_ =	shalt  }
0x71: {  	_ =	shalt  }
0x72: {  	_ =	shalt  }
0x73: {  	_ =	shalt  }
0x74: {  	_ =	shalt  }
0x75: {  	_ =	shalt  }
0x76: {  	_ =	shalt  }
0x77: {  	_ =	shalt  }
0x78: {  	_ =	shalt  }
0x79: {  	_ =	shalt  }
0x7a: {  	_ =	shalt  }
0x7b: {  	_ =	shalt  }
0x7c: {  	_ =	shalt  }
0x7d: {  	_ =	shalt  }
0x7e: {  	_ =	shalt  }
0x7f: {  	_ =	shalt  }
0x80: {  	_ =	shalt  }
0x81: {  	_ =	shalt  }
0x82: {  	_ =	shalt  }
0x83: {  	_ =	shalt  }
0x84: {  	_ =	shalt  }
0x85: {  	_ =	shalt  }
0x86: {  	_ =	shalt  }
0x87: {  	_ =	shalt  }
.Lfunc_end0:
.L_simem_size_0:
called_computation_lowered:
.L_overlay_start_0:
0x88: {  	s2 =	sld [smem:$0x3FD9]  }
0x89: {  	s3 =	sld [smem:$0x3FFE];
	_ =	sdelay $0x1  }
0x8a: {  	s1 =	srdreg.scid  }
0x8b: {  	s0 =	sand.u32 $0x1, s1  }
0x8c: {  	s18 =	sshll.u32 s0, $0xA;
	s2 =	sadd.s32 s3, s2  }
0x8d: {  	s2 =	sadd.s32 s2, s18  }
0x8e: {  	[smem:$0x3FC7] =	sst s2  }
0x8f: {  	_ = 	snop  }
0x90: {  	s2 =	sld [smem:$0x3FC9]  }
0x91: {  	s19 =	sld [smem:$0x3FD0];
	(tm) =	ssettm $0x1  }
0x92: {  	s4 =	sld [smem:$0x3FFB];
	_ =	sdelay $0x3  }
0x93: {  	_ =	strace s4  }
0x94: {  	s4 =	sld [smem:$0x3FFC];
	_ =	sdelay $0x3  }
0x95: {  	_ =	strace s4  }
0x96: {  	s4 =	sld [smem:$0x3FFD];
	_ =	sdelay $0x3  }
0x97: {  	_ =	strace s4  }
0x98: {  	_ =	strace $0x8FFFFFFF  }
0x99: {  	s20 =	sld [smem:$0x3FDB];
	_ =	sdelay $0x1  }
0x9a: {  	s5 =	simm.s32 $_scs_section_size  }
0x9b: {  	s6 =	simm.s32 $_size__tile_overlayer_lowered;
	s7 =	simm.s32 $_tile_overlayer_lowered  }
0x9c: {  	s23 =	simm.s32 $0x1BFF;
	s22 =	sshll.u32 s7, $0x1;
	s4 =	sadd.s32 s5, s20  }
0x9d: {  	s8 =	simm.s32 $0x0;
	s21 =	sshll.u32 s6, $0x1;
	s6 =	sadd.s32 s22, s4  }
0x9e: {  	[timem:s8], [sflag:s23] =	dma.local [hbm:s6], s21  }
0x9f: {  	_ =	swait.ge [sflag:s23], s21  }
0xa0: {  	s5 =	ssub.s32 $0x0, s21;
	[sflag:s23] =	ssyncset.done $0x0  }
0xa1: {  	[sflag:s23] =	ssyncadd.s32 s5;
	_ =	sdelay $0x1  }
0xa2: {  	s24 =	simm.s32 $0x1B8B  }
0xa3: {  	_ =	swait.ge [sflag:s24], $0x1  }
0xa4: {  	[sflag:s24] =	ssyncset.done $0x0  }
0xa5: {  	s25 =	simm.s32 $0x1B8E;
	[sflag:s24] =	ssyncadd.s32 $0xFFFFFFFF  }
0xa6: {  	s26 =	simm.s32 $execute0_lowered;
	[smem:$0x3FD2] =	sst s25  }
0xa7: {  	s5 =	sshll.u32 s26, $0x1;
	_ =	strace $0x80000046;
	[dreg:$0x1] =	wrdreg $0xFFFFFFFF  }
0xa8: {  	s28 =	simm.s32 $_size_execute0_lowered;
	s4 =	sadd.s32 s4, s5;
	[dreg:$0x0] =	wrdreg $0x0  }
0xa9: {  	s5 =	sshll.u32 s28, $0x1;
	[dreg:$0x2] =	wrdreg s4  }
0xaa: {  	[dreg:$0x3] =	wrdreg s5  }
0xab: {  	[dreg:$0x4] =	wrdreg $0xC0  }
0xac: {  	_ =	task [dreg:s8], $0x5FFFF  }
0xad: {  	[dreg:$0x1] =	wrdreg $0xFFFFFFFF  }
0xae: {  	[dreg:$0x0] =	wrdreg $0x60  }
0xaf: {  	[dreg:$0x2] =	wrdreg s2  }
0xb0: {  	[dreg:$0x3] =	wrdreg s19  }
0xb1: {  	[dreg:$0x4] =	wrdreg $0x2B000  }
0xb2: {  	[dreg:$0x5] =	wrdreg $0x9  }
0xb3: {  	_ =	task.clear_ibuf [dreg:s8], $0x6FFFF;
	_ =	strace $0x90000046  }
0xb4: {  	s29 =	simm.s32 $0x9;
	_ =	strace $0x80000048  }
0xb5: {  	_ =	swait.ge [sflag:s29], $0x1  }
0xb6: {  	[sflag:s29] =	ssyncadd.s32 $0xFFFFFFFF  }
0xb7: {  	_ =	strace $0x90000048  }
0xb8: {  	_ =	sfence  }
0xb9: {  	s30 =	sld [smem:$0x0];
	_ =	sdelay $0x2  }
0xba: {  	s31 =	sshll.u32 s1, $0xD;
	s1 =	sshrl.u32 s1, $0x2  }
0xbb: {  	s3 =	sand.u32 $0x4000, s31;
	s1 =	sadd.s32 s1, s30  }
0xbc: {  	s0 =	sor.u32 s3, s0;
	s1 =	sshll.u32 s1, $0x11  }
0xbd: {  	s0 =	sor.u32 s1, s0  }
0xbe: {  	s0 =	sadd.s32 $0x8F2B, s0  }
0xbf: {  	[sflag:s0] =	ssyncadd.remote.s32 $0x1  }
0xc0: {  	_ =	sfence.sel $0xFFFF  }
0xc1: {  	[dreg:$0x0] =	wrdreg $0xFFFFFFFF;
	(pc) =	sbr.abs _section_cstart, $3  }
0xc2: {  	[dreg:$0x1] =	wrdreg $0xFFFFFFFF  }
0xc3: {  	_ =	task.clear_ibuf [dreg:s8], $0x2FFFF;
	_ =	strace $0x9FFFFFFF  }
0xc4: {  	(tm) =	ssettm $0x7FFFFFFF  }
0xc5: {  	_ =	shalt  }
tec
execute0_lowered:
.L_overlay_start_1:
0x0: {  	(tag) =	ssettag $0x1  }
0x1: {  	s4 =	rddreg [dreg:$0x0]  }
0x2: {  	s6 =	rddreg [dreg:$0x1]  }
0x3: {  	s1 =	rddreg [dreg:$0x2]  }
0x4: {  	s0 =	rddreg [dreg:$0x3];
	s3 =	simm.s32 $0x0;
	s5 =	srdreg.scid  }
0x5: {  	s2 =	stileid.u32;
	s14 =	simm.s32 $0x20;
	s15 =	simm.s32 $0x10  }
0x6: {  	s16 =	simm.s32 $0x0;
	[smem:$0x7FF] =	sst s3;
	s8 =	smul.u32 $0xA00, s2  }
0x7: {  	s5 =	sand.u32 $0x1, s5;
	s7 =	sshll.u32 s2, $0x1;
	s10 =	smul.u32 $0x500, s2  }
0x8: {  	s12 =	sshll.u32 s2, $0x6;
	_ =	strace $0x80000047;
	s9 =	ssub.s32 $0x2, s5  }
0x9: {  	s7 =	sor.u32 s5, s7;
	s5 =	sshll.u32 s5, $0x7;
	s12 =	sor.u32 $0x1C01, s12  }
0xa: {  	s11 =	sshrl.u32 s9, $0x1;
	s7 =	smul.u32 $0x500, s7;
	s8 =	sshrl.u32 s8, $0x2  }
0xb: {  	s10 =	sor.u32 s5, s10;
	s9 =	ssub.s32 s9, s11;
	s5 =	sadd.s32 s8, s1  }
0xc: {  	s31 =	sshrl.u32 s10, $0x3;
	s8 =	simm.s32 $0x1;
	s10 =	simm.s32 $0x80  }
0xd: {  	s11 =	simm.s32 $0x2800;
	s4 =	sadd.s32 s4, s7;
	s6 =	sadd.s32 s6, s31  }
0xe: {  	v0 =	vimm.f32 $1.000000000e+00;
	v1 =	vimm.f32 $0.0e+00;
	s7 =	smax.u32 s9, $0x1;
	s9 =	simm.s32 $0x2880;
	s13 =	sshrl.u32 s5, $0x3  }
.LBB2_1:
0xf: {  	[tilespmem:s3], [sflag:$0x1] =	stream.linear.gather [hbm4b:s4+s3], $0x2800, $0x38;
	[tilespmem:$0x2D80] =	vst v63  }
0x10: {  	_ =	swait.ge [sflag:s8], $0x2800  }
0x11: {  	[sflag:s8] =	ssyncset.done $0x0  }
0x12: {  	[sflag:s8] =	ssyncadd.s32 $0xFFFFD800  }
0x13: {  	[tilespmem:$0x2800] =	vst v0  }
0x14: {  	[tilespmem:$0x2810] =	vst v0  }
0x15: {  	[tilespmem:$0x2820] =	vst v0  }
0x16: {  	[tilespmem:$0x2830] =	vst v0  }
0x17: {  	[tilespmem:$0x2840] =	vst v0  }
0x18: {  	[tilespmem:$0x2850] =	vst v0  }
0x19: {  	[tilespmem:$0x2860] =	vst v0  }
0x1a: {  	[tilespmem:$0x2870] =	vst v0  }
0x1b: {  	[tilespmem:$0x2880] =	vst v1  }
0x1c: {  	[tilespmem:$0x2890] =	vst v1  }
0x1d: {  	[tilespmem:$0x28A0] =	vst v1  }
0x1e: {  	[tilespmem:$0x28B0] =	vst v1  }
0x1f: {  	[tilespmem:$0x28C0] =	vst v1  }
0x20: {  	[tilespmem:$0x28D0] =	vst v1  }
0x21: {  	[tilespmem:$0x28E0] =	vst v1  }
0x22: {  	[tilespmem:$0x28F0] =	vst v1  }
0x23: {  	[tilespmem:$0x2900] =	vst v1  }
0x24: {  	[tilespmem:$0x2910] =	vst v1  }
0x25: {  	[tilespmem:$0x2920] =	vst v1  }
0x26: {  	[tilespmem:$0x2930] =	vst v1  }
0x27: {  	[tilespmem:$0x2940] =	vst v1  }
0x28: {  	[tilespmem:$0x2950] =	vst v1  }
0x29: {  	[tilespmem:$0x2960] =	vst v1  }
0x2a: {  	[tilespmem:$0x2970] =	vst v1  }
0x2b: {  	[tilespmem:$0x2980] =	vst v1  }
0x2c: {  	[tilespmem:$0x2990] =	vst v1  }
0x2d: {  	[tilespmem:$0x29A0] =	vst v1  }
0x2e: {  	[tilespmem:$0x29B0] =	vst v1  }
0x2f: {  	[tilespmem:$0x29C0] =	vst v1  }
0x30: {  	[tilespmem:$0x29D0] =	vst v1  }
0x31: {  	[tilespmem:$0x29E0] =	vst v1  }
0x32: {  	[tilespmem:$0x29F0] =	vst v1  }
0x33: {  	[tilespmem:$0x2A00] =	vst v1  }
0x34: {  	[tilespmem:$0x2A10] =	vst v1  }
0x35: {  	[tilespmem:$0x2A20] =	vst v1  }
0x36: {  	[tilespmem:$0x2A30] =	vst v1  }
0x37: {  	[tilespmem:$0x2A40] =	vst v1  }
0x38: {  	[tilespmem:$0x2A50] =	vst v1  }
0x39: {  	[tilespmem:$0x2A60] =	vst v1  }
0x3a: {  	[tilespmem:$0x2A70] =	vst v1  }
0x3b: {  	[tilespmem:$0x2A80] =	vst v1  }
0x3c: {  	[tilespmem:$0x2A90] =	vst v1  }
0x3d: {  	[tilespmem:$0x2AA0] =	vst v1  }
0x3e: {  	[tilespmem:$0x2AB0] =	vst v1  }
0x3f: {  	[tilespmem:$0x2AC0] =	vst v1  }
0x40: {  	[tilespmem:$0x2AD0] =	vst v1  }
0x41: {  	[tilespmem:$0x2AE0] =	vst v1  }
0x42: {  	[tilespmem:$0x2AF0] =	vst v1  }
0x43: {  	[spmem:s5] =	stream.linear.scatter [tilespmem:s9], [sflag:$0x1], $0x280, $0x38;
	[tilespmem:$0x2D80] =	vst v63  }
0x44: {  	_ =	swait.ge [sflag:s8], $0x280  }
0x45: {  	[sflag:s8] =	ssyncset.done $0x0  }
0x46: {  	[sflag:s8] =	ssyncadd.s32 $0xFFFFFD80  }
0x47: {  	s17 =	simm.s32 $0x0;
	[bflag:$0x0] =	sbarrier.arrive $0xFFFF  }
0x48: {  	[spmem:s1] =	stream.indirect.scatter.add.f32 [tilespmem:s11], [sflag:$0x1], $0x1, s17, s10, $0xb8;
	[tilespmem:$0x2D80] =	vst v63  }
0x49: {  	_ =	swait.ge [sflag:s8], $0x80  }
0x4a: {  	s17 =	simm.s32 $0x200;
	[sflag:s8] =	ssyncset.done $0x0  }
.LBB2_2:
0x4b: {  	s18 =	sshra.s32 s17, $0x2;
	[sflag:s8] =	ssyncadd.s32 $0xFFFFFF80;
	p0 =	sne.s32 s17, $0x9E00  }
0x4c: {  	[spmem:s1] =	stream.indirect.scatter.add.f32 [tilespmem:s11], [sflag:$0x1], $0x1, s18, s10, $0xb8;
	[tilespmem:$0x2D80] =	vst v63  }
.Ltmp0:
0x4d: {  	_ = 	snop;
	(pc) =	sbr.rel @p0 .LBB2_2-.Ltmp0, $4  }
0x4e: {  	_ = 	snop  }
0x4f: {  	s17 =	sadd.s32 $0x200, s17  }
0x50: {  	_ =	swait.ge [sflag:s8], $0x80  }
0x51: {  	[sflag:s8] =	ssyncset.done $0x0  }
0x52: {  	s16 =	sadd.s32 $0x1, s16  }
0x53: {  	[sflag:s8] =	ssyncadd.s32 $0xFFFFFF80;
	p0 =	sne.s32 s16, s7  }
.Ltmp1:
0x54: {  	[bflag:$0x0] =	sbarrier.arrive $0xFFFF;
	(pc) =	sbr.rel @p0 .LBB2_1-.Ltmp1, $4  }
0x55: {  	[hbm:s6@s14], [sflag:s12] =	dma.strided [spmem:s13@s15], $0x50, s8, $0x10   }
0x56: {  	_ =	swait.ge [sflag:s8], $0x50  }
0x57: {  	[sflag:s8] =	ssyncset.done $0x0  }
0x58: {  	[sflag:s8] =	ssyncadd.s32 $0xFFFFFFB0  }
0x59: {  	_ =	sfence.sel $0x180000  }
0x5a: {  	[bflag:$0x0] =	sbarrier.arrive $0xFFFF  }
0x5b: {  	p0 =	sne.s32 s2, $0x0;
	_ =	strace $0x90000047  }
0x5c: {  	s0 =	sadd.s32 @!p0 $0x100000, s0;
	[bflag:$0x2] =	sbarrier.arrive $0xFFFF  }
0x5d: {  	[sflag:s0] =	ssyncadd.tile.s32 @!p0 $0x1;
	_ =	shalt  }
.Lfunc_end2:
_tile_overlayer_lowered:
.L_overlay_start_2:
0x5e: {  	(tag) =	ssettag $0x2  }
0x5f: {  	s0 =	rddreg [dreg:$0x0];
	s2 =	stileid.u32  }
0x60: {  	s1 =	rddreg [dreg:$0x1];
	p0 =	sne.s32 s2, $0x0  }
0x61: {  	s3 =	rddreg [dreg:$0x2];
	[bflag:$0x3] =	sbarrier.arrive $0xFFFF;
	s2 =	simm.s32 @!p0 $0x1C01  }
0x62: {  	[timem:s3], [sflag:s2] =	dma.local @!p0 [hbm:s0], s1  }
0x63: {  	s0 =	simm.s32 @!p0 $0x1  }
0x64: {  	_ =	swait.ge @!p0 [sflag:s0], s1  }
0x65: {  	s1 =	ssub.s32 @!p0 $0x0, s1;
	[sflag:s0] =	ssyncset.done @!p0 $0x0  }
0x66: {  	[sflag:s0] =	ssyncadd.s32 @!p0 s1  }
0x67: {  	[bflag:$0x3] =	sbarrier.arrive $0xFFFF  }
0x68: {  	_ =	shalt  }

</sc_bundles>
